<compile_context>
chip_gen: v7x
topology: tpu7x:2x2x1
jax: 0.10.2.dev20260603
libtpu: 0.0.44.dev20260713+nightly
codegen_flags: <defaults>
</compile_context>

<pallas_src>
import functools

import jax
import jax.numpy as jnp
from jax import lax
from jax.experimental import pallas as pl
from jax.experimental.pallas import tpu as pltpu
from jax.experimental.pallas import tpu_sc as plsc

VOCAB = 1000000
BATCH = 4096
HIST = 200
MODEL_DIM = 64
SROW = 2 * MODEL_DIM
N = BATCH * HIST
NC, NS = 2, 16
NW = NC * NS
N_PER_W = N // NW
GATHER_I = 128
IDX_ROWS = N_PER_W // GATHER_I
K = 2
CHUNK = K * GATHER_I
T = N_PER_W // CHUNK

SEL_R = 8192


def _emb_gather_sc(idx2d, tab2):
    mesh = plsc.VectorSubcoreMesh(
        core_axis_name="c", subcore_axis_name="s", num_cores=NC, num_subcores=NS
    )

    @functools.partial(
        pl.kernel,
        out_type=jax.ShapeDtypeStruct((N, SROW), jnp.float32),
        mesh=mesh,
        scratch_types=[
            pltpu.VMEM((IDX_ROWS, GATHER_I), jnp.int32),
            pltpu.VMEM((CHUNK, SROW), jnp.float32),
            pltpu.VMEM((CHUNK, SROW), jnp.float32),
            pltpu.SemaphoreType.DMA,
            pltpu.SemaphoreType.DMA,
        ],
    )
    def body(idx_hbm, tab_hbm, out_hbm, idx_v, rows0, rows1, sem0, sem1):
        rows_v = (rows0, rows1)
        gsem = (sem0, sem1)
        wid = lax.axis_index("s") * NC + lax.axis_index("c")
        row0 = wid * IDX_ROWS
        out0 = wid * N_PER_W

        pltpu.sync_copy(idx_hbm.at[pl.ds(row0, IDX_ROWS)], idx_v)

        def fire(c, b):
            for j in range(K):
                pltpu.async_copy(
                    tab_hbm.at[idx_v.at[c * K + j]],
                    rows_v[b].at[pl.ds(j * GATHER_I, GATHER_I)],
                    gsem[b],
                )

        for b in range(2):
            fire(b, b)

        @pl.loop(0, T // 2)
        def _round(g):
            for b in range(2):
                c = 2 * g + b
                pltpu.make_async_copy(
                    tab_hbm.at[pl.ds(0, CHUNK)], rows_v[b], gsem[b]
                ).wait()
                pltpu.sync_copy(
                    rows_v[b], out_hbm.at[pl.ds(out0 + c * CHUNK, CHUNK)]
                )

                @pl.when(c + 2 < T)
                def _():
                    fire(c + 2, b)

    return body(idx2d, tab2)


def _half_select_tc(srows, parity):

    def body(rows_ref, par_ref, out_ref):
        rows = rows_ref[...]
        odd = par_ref[...] == 1
        out_ref[...] = jnp.where(odd, rows[:, MODEL_DIM:], rows[:, :MODEL_DIM])

    return pl.pallas_call(
        body,
        grid=(N // SEL_R,),
        in_specs=[
            pl.BlockSpec((SEL_R, SROW), lambda i: (i, 0)),
            pl.BlockSpec((SEL_R, 1), lambda i: (i, 0)),
        ],
        out_specs=pl.BlockSpec((SEL_R, MODEL_DIM), lambda i: (i, 0)),
        out_shape=jax.ShapeDtypeStruct((N, MODEL_DIM), jnp.float32),
    )(srows, parity)


def _mask_tc(word_idx):
    def body(idx_ref, out_ref):
        out_ref[...] = idx_ref[...] > 0

    return pl.pallas_call(
        body,
        out_shape=jax.ShapeDtypeStruct((BATCH, HIST), jnp.bool_),
    )(word_idx)


def kernel(word_idx, emb_table):
    flat_idx = word_idx.reshape(N)
    sidx2d = (flat_idx >> 1).reshape(N // GATHER_I, GATHER_I)
    parity = (flat_idx & 1).reshape(N, 1)
    tab2 = emb_table.reshape(VOCAB // 2, SROW)
    srows = _emb_gather_sc(sidx2d, tab2)
    emb_flat = _half_select_tc(srows, parity)
    static_emb = emb_flat.reshape(BATCH, HIST, MODEL_DIM)
    bottom_existence = _mask_tc(word_idx)
    return (static_emb, bottom_existence)

# --- scband reference (transcript-rebuilt; emitter-appended) ---
"""Pipeline reference for scband-input-leaves-12111807775318 (READ-ONLY COPY).

The authoritative reference and input builder live on the scoring server;
editing this copy changes nothing except your own understanding.
"""

import jax, jax.numpy as jnp
import numpy as np

VOCAB = 1000000
MODEL_DIM = 64
BATCH = 4096
HIST = 200

def setup_inputs(seed: int = 0) -> dict:
    key = jax.random.key(seed)
    k_idx, k_tab = jax.random.split(key)
    word_idx = jax.random.randint(k_idx, (BATCH, HIST), 0, VOCAB, dtype=jnp.int32)
    # mutable embedding table (pre_trained=False, trainable=True -> nn.Embedding(num_tokens, model_dim))
    emb_table = jax.random.normal(k_tab, (VOCAB, MODEL_DIM), dtype=jnp.float32)
    return {"word_idx": word_idx, "emb_table": emb_table}

def reference(word_idx, emb_table):
    # fixed_mutable_bound == 0 branch: single embedding lookup
    static_emb = jnp.take(emb_table, word_idx, axis=0)
    bottom_existence = word_idx > 0
    # dropout p=0.0 (eval / no-op); activation is None
    return (static_emb, bottom_existence)

if __name__ == "__main__":
    import jax
    _d = setup_inputs()
    print(jax.jit(kernel)(*tuple(_d.values())))

</pallas_src>

<mosaic_0001>
#map = affine_map<(d0, d1) -> (0, 0)>
module attributes {stable_mosaic.version = 14 : i64} {
  func.func @body(%arg0: i32, %arg1: i32, %arg2: memref<6400x128xi32, #tpu.memory_space<hbm>>, %arg3: memref<500000x128xf32, #tpu.memory_space<hbm>>, %arg4: memref<819200x128xf32, #tpu.memory_space<hbm>>, %arg5: memref<200x128xi32, #tpu.memory_space<vmem>>, %arg6: memref<256x128xf32, #tpu.memory_space<vmem>>, %arg7: memref<256x128xf32, #tpu.memory_space<vmem>>, %arg8: memref<!tpu.dma_semaphore, #tpu.memory_space<semaphore_mem>>, %arg9: memref<!tpu.dma_semaphore, #tpu.memory_space<semaphore_mem>>) attributes {dimension_semantics = [#tpu.dimension_semantics<core_parallel>, #tpu.dimension_semantics<subcore_parallel>], iteration_bounds = array<i64: 2, 16>, scalar_prefetch = 0 : i64, scratch_operands = 5 : i64, tpu.core_type = #tpu.core_type<sc_vector_subcore>, window_params = [{transform_indices = #map}, {transform_indices = #map}, {transform_indices = #map}]} {
    %mul3A = arith.constant 2 : i32
    %mul3A_0 = arith.muli %arg1, %mul3A : i32
    %add3A = arith.addi %mul3A_0, %arg0 : i32
    %mul3A_1 = arith.constant 200 : i32
    %mul3A_2 = arith.muli %add3A, %mul3A_1 : i32
    %mul3A_3 = arith.constant 25600 : i32
    %mul3A_4 = arith.muli %add3A, %mul3A_3 : i32
    "tpu.region"() ({
      %run_scoped3A = tpu.sem_alloc : memref<!tpu.dma_semaphore, #tpu.memory_space<semaphore_mem>>
      %dma_start3A_48 = arith.constant 0 : i32
      %dma_start3A_49 = tpu.memref_slice %arg2[%mul3A_2, %dma_start3A_48] : memref<6400x128xi32, #tpu.memory_space<hbm>> -> memref<200x128xi32, #tpu.memory_space<hbm>>
      %dma_start3A_50 = arith.constant 0 : i32
      %dma_start3A_51 = tpu.memref_slice %arg2[%mul3A_2, %dma_start3A_50] : memref<6400x128xi32, #tpu.memory_space<hbm>> -> memref<200x128xi32, #tpu.memory_space<hbm>>
      tpu.enqueue_dma source(%dma_start3A_51 : memref<200x128xi32, #tpu.memory_space<hbm>>) target(%arg5 : memref<200x128xi32, #tpu.memory_space<vmem>>) target_semaphore(%run_scoped3A : memref<!tpu.dma_semaphore, #tpu.memory_space<semaphore_mem>>)
      %dma_wait3A = arith.constant 0 : i32
      %dma_wait3A_52 = tpu.memref_slice %arg2[%mul3A_2, %dma_wait3A] : memref<6400x128xi32, #tpu.memory_space<hbm>> -> memref<200x128xi32, #tpu.memory_space<hbm>>
      %dma_wait3A_53 = arith.constant 0 : i32
      %dma_wait3A_54 = tpu.memref_slice %arg2[%mul3A_2, %dma_wait3A_53] : memref<6400x128xi32, #tpu.memory_space<hbm>> -> memref<200x128xi32, #tpu.memory_space<hbm>>
      tpu.wait_dma2 semaphore(%run_scoped3A : memref<!tpu.dma_semaphore, #tpu.memory_space<semaphore_mem>>) src(%dma_wait3A_54 : memref<200x128xi32, #tpu.memory_space<hbm>>) dst(%arg5 : memref<200x128xi32, #tpu.memory_space<vmem>>)
      tpu.yield
    }) : () -> ()
    %dma_start3A = arith.constant 0 : i32
    %dma_start3A_5 = arith.constant 0 : i32
    %dma_start3A_6 = arith.constant 0 : i32
    %dma_start3A_7 = tpu.memref_slice %arg6[%dma_start3A_5, %dma_start3A_6] : memref<256x128xf32, #tpu.memory_space<vmem>> -> memref<128x128xf32, #tpu.memory_space<vmem>>
    %dma_start3A_8 = arith.constant 0 : i32
    %dma_start3A_9 = tpu.memref_slice %arg5[%dma_start3A, %dma_start3A_8] : memref<200x128xi32, #tpu.memory_space<vmem>> -> memref<1x128xi32, #tpu.memory_space<vmem>>
    %dma_start3A_10 = tpu.memref_squeeze %dma_start3A_9 : memref<1x128xi32, #tpu.memory_space<vmem>> -> memref<128xi32, #tpu.memory_space<vmem>>
    %dma_start3A_11 = arith.constant 0 : i32
    %dma_start3A_12 = arith.constant 0 : i32
    %dma_start3A_13 = tpu.memref_slice %arg3[%dma_start3A_11, %dma_start3A_12] : memref<500000x128xf32, #tpu.memory_space<hbm>> -> memref<500000x128xf32, #tpu.memory_space<hbm>>
    tpu.enqueue_indirect_dma source(%dma_start3A_13 : memref<500000x128xf32, #tpu.memory_space<hbm>>) target(%dma_start3A_7 : memref<128x128xf32, #tpu.memory_space<vmem>>) offsets(%dma_start3A_10 : memref<128xi32, #tpu.memory_space<vmem>>) semaphore(%arg8 : memref<!tpu.dma_semaphore, #tpu.memory_space<semaphore_mem>>)
    %dma_start3A_14 = arith.constant 1 : i32
    %dma_start3A_15 = arith.constant 128 : i32
    %dma_start3A_16 = arith.constant 0 : i32
    %dma_start3A_17 = tpu.memref_slice %arg6[%dma_start3A_15, %dma_start3A_16] : memref<256x128xf32, #tpu.memory_space<vmem>> -> memref<128x128xf32, #tpu.memory_space<vmem>>
    %dma_start3A_18 = arith.constant 0 : i32
    %dma_start3A_19 = tpu.memref_slice %arg5[%dma_start3A_14, %dma_start3A_18] : memref<200x128xi32, #tpu.memory_space<vmem>> -> memref<1x128xi32, #tpu.memory_space<vmem>>
    %dma_start3A_20 = tpu.memref_squeeze %dma_start3A_19 : memref<1x128xi32, #tpu.memory_space<vmem>> -> memref<128xi32, #tpu.memory_space<vmem>>
    %dma_start3A_21 = arith.constant 0 : i32
    %dma_start3A_22 = arith.constant 0 : i32
    %dma_start3A_23 = tpu.memref_slice %arg3[%dma_start3A_21, %dma_start3A_22] : memref<500000x128xf32, #tpu.memory_space<hbm>> -> memref<500000x128xf32, #tpu.memory_space<hbm>>
    tpu.enqueue_indirect_dma source(%dma_start3A_23 : memref<500000x128xf32, #tpu.memory_space<hbm>>) target(%dma_start3A_17 : memref<128x128xf32, #tpu.memory_space<vmem>>) offsets(%dma_start3A_20 : memref<128xi32, #tpu.memory_space<vmem>>) semaphore(%arg8 : memref<!tpu.dma_semaphore, #tpu.memory_space<semaphore_mem>>)
    %dma_start3A_24 = arith.constant 2 : i32
    %dma_start3A_25 = arith.constant 0 : i32
    %dma_start3A_26 = arith.constant 0 : i32
    %dma_start3A_27 = tpu.memref_slice %arg7[%dma_start3A_25, %dma_start3A_26] : memref<256x128xf32, #tpu.memory_space<vmem>> -> memref<128x128xf32, #tpu.memory_space<vmem>>
    %dma_start3A_28 = arith.constant 0 : i32
    %dma_start3A_29 = tpu.memref_slice %arg5[%dma_start3A_24, %dma_start3A_28] : memref<200x128xi32, #tpu.memory_space<vmem>> -> memref<1x128xi32, #tpu.memory_space<vmem>>
    %dma_start3A_30 = tpu.memref_squeeze %dma_start3A_29 : memref<1x128xi32, #tpu.memory_space<vmem>> -> memref<128xi32, #tpu.memory_space<vmem>>
    %dma_start3A_31 = arith.constant 0 : i32
    %dma_start3A_32 = arith.constant 0 : i32
    %dma_start3A_33 = tpu.memref_slice %arg3[%dma_start3A_31, %dma_start3A_32] : memref<500000x128xf32, #tpu.memory_space<hbm>> -> memref<500000x128xf32, #tpu.memory_space<hbm>>
    tpu.enqueue_indirect_dma source(%dma_start3A_33 : memref<500000x128xf32, #tpu.memory_space<hbm>>) target(%dma_start3A_27 : memref<128x128xf32, #tpu.memory_space<vmem>>) offsets(%dma_start3A_30 : memref<128xi32, #tpu.memory_space<vmem>>) semaphore(%arg9 : memref<!tpu.dma_semaphore, #tpu.memory_space<semaphore_mem>>)
    %dma_start3A_34 = arith.constant 3 : i32
    %dma_start3A_35 = arith.constant 128 : i32
    %dma_start3A_36 = arith.constant 0 : i32
    %dma_start3A_37 = tpu.memref_slice %arg7[%dma_start3A_35, %dma_start3A_36] : memref<256x128xf32, #tpu.memory_space<vmem>> -> memref<128x128xf32, #tpu.memory_space<vmem>>
    %dma_start3A_38 = arith.constant 0 : i32
    %dma_start3A_39 = tpu.memref_slice %arg5[%dma_start3A_34, %dma_start3A_38] : memref<200x128xi32, #tpu.memory_space<vmem>> -> memref<1x128xi32, #tpu.memory_space<vmem>>
    %dma_start3A_40 = tpu.memref_squeeze %dma_start3A_39 : memref<1x128xi32, #tpu.memory_space<vmem>> -> memref<128xi32, #tpu.memory_space<vmem>>
    %dma_start3A_41 = arith.constant 0 : i32
    %dma_start3A_42 = arith.constant 0 : i32
    %dma_start3A_43 = tpu.memref_slice %arg3[%dma_start3A_41, %dma_start3A_42] : memref<500000x128xf32, #tpu.memory_space<hbm>> -> memref<500000x128xf32, #tpu.memory_space<hbm>>
    tpu.enqueue_indirect_dma source(%dma_start3A_43 : memref<500000x128xf32, #tpu.memory_space<hbm>>) target(%dma_start3A_37 : memref<128x128xf32, #tpu.memory_space<vmem>>) offsets(%dma_start3A_40 : memref<128xi32, #tpu.memory_space<vmem>>) semaphore(%arg9 : memref<!tpu.dma_semaphore, #tpu.memory_space<semaphore_mem>>)
    %scan3A = arith.constant 0 : i32
    %scan3A_44 = arith.constant 50 : i32
    %scan3A_45 = arith.addi %scan3A, %scan3A_44 : i32
    %scan3A_46 = arith.constant 1 : i32
    scf.for %scan3A_48 = %scan3A to %scan3A_45 step %scan3A_46  : i32 {
      %mul3A_49 = arith.constant 1 : i32
      %mul3A_50 = arith.muli %scan3A_48, %mul3A_49 : i32
      %add3A_51 = arith.constant 0 : i32
      %add3A_52 = arith.addi %add3A_51, %mul3A_50 : i32
      %mul3A_53 = arith.constant 2 : i32
      %mul3A_54 = arith.muli %mul3A_53, %add3A_52 : i32
      %add3A_55 = arith.constant 0 : i32
      %add3A_56 = arith.addi %mul3A_54, %add3A_55 : i32
      %dma_wait3A = arith.constant 0 : i32
      %dma_wait3A_57 = arith.constant 0 : i32
      %dma_wait3A_58 = tpu.memref_slice %arg3[%dma_wait3A, %dma_wait3A_57] : memref<500000x128xf32, #tpu.memory_space<hbm>> -> memref<256x128xf32, #tpu.memory_space<hbm>>
      %dma_wait3A_59 = arith.constant 0 : i32
      %dma_wait3A_60 = arith.constant 0 : i32
      %dma_wait3A_61 = tpu.memref_slice %arg3[%dma_wait3A_59, %dma_wait3A_60] : memref<500000x128xf32, #tpu.memory_space<hbm>> -> memref<256x128xf32, #tpu.memory_space<hbm>>
      tpu.wait_dma2 semaphore(%arg8 : memref<!tpu.dma_semaphore, #tpu.memory_space<semaphore_mem>>) src(%dma_wait3A_61 : memref<256x128xf32, #tpu.memory_space<hbm>>) dst(%arg6 : memref<256x128xf32, #tpu.memory_space<vmem>>)
      %mul3A_62 = arith.constant 256 : i32
      %mul3A_63 = arith.muli %add3A_56, %mul3A_62 : i32
      %add3A_64 = arith.addi %mul3A_4, %mul3A_63 : i32
      "tpu.region"() ({
        %run_scoped3A = tpu.sem_alloc : memref<!tpu.dma_semaphore, #tpu.memory_space<semaphore_mem>>
        %dma_start3A_89 = arith.constant 0 : i32
        %dma_start3A_90 = tpu.memref_slice %arg4[%add3A_64, %dma_start3A_89] : memref<819200x128xf32, #tpu.memory_space<hbm>> -> memref<256x128xf32, #tpu.memory_space<hbm>>
        %dma_start3A_91 = arith.constant 0 : i32
        %dma_start3A_92 = tpu.memref_slice %arg4[%add3A_64, %dma_start3A_91] : memref<819200x128xf32, #tpu.memory_space<hbm>> -> memref<256x128xf32, #tpu.memory_space<hbm>>
        tpu.enqueue_dma source(%arg6 : memref<256x128xf32, #tpu.memory_space<vmem>>) target(%dma_start3A_92 : memref<256x128xf32, #tpu.memory_space<hbm>>) target_semaphore(%run_scoped3A : memref<!tpu.dma_semaphore, #tpu.memory_space<semaphore_mem>>)
        %dma_wait3A_93 = arith.constant 0 : i32
        %dma_wait3A_94 = tpu.memref_slice %arg4[%add3A_64, %dma_wait3A_93] : memref<819200x128xf32, #tpu.memory_space<hbm>> -> memref<256x128xf32, #tpu.memory_space<hbm>>
        %dma_wait3A_95 = arith.constant 0 : i32
        %dma_wait3A_96 = tpu.memref_slice %arg4[%add3A_64, %dma_wait3A_95] : memref<819200x128xf32, #tpu.memory_space<hbm>> -> memref<256x128xf32, #tpu.memory_space<hbm>>
        tpu.wait_dma2 semaphore(%run_scoped3A : memref<!tpu.dma_semaphore, #tpu.memory_space<semaphore_mem>>) src(%arg6 : memref<256x128xf32, #tpu.memory_space<vmem>>) dst(%dma_wait3A_96 : memref<256x128xf32, #tpu.memory_space<hbm>>)
        tpu.yield
      }) : () -> ()
      %add3A_65 = arith.constant 2 : i32
      %add3A_66 = arith.addi %add3A_56, %add3A_65 : i32
      %lt3A = arith.constant 100 : i32
      %lt3A_67 = arith.cmpi slt, %add3A_66, %lt3A : i32
      %convert_element_type3A = arith.extui %lt3A_67 : i1 to i32
      %cond3A = arith.constant 0 : i32
      %cond3A_68 = arith.cmpi ne, %convert_element_type3A, %cond3A : i32
      scf.if %cond3A_68 {
        %add3A_89 = arith.constant 2 : i32
        %add3A_90 = arith.addi %add3A_56, %add3A_89 : i32
        %mul3A_91 = arith.constant 2 : i32
        %mul3A_92 = arith.muli %add3A_90, %mul3A_91 : i32
        %add3A_93 = arith.constant 0 : i32
        %add3A_94 = arith.addi %mul3A_92, %add3A_93 : i32
        %dma_start3A_95 = arith.constant 0 : i32
        %dma_start3A_96 = arith.constant 0 : i32
        %dma_start3A_97 = tpu.memref_slice %arg6[%dma_start3A_95, %dma_start3A_96] : memref<256x128xf32, #tpu.memory_space<vmem>> -> memref<128x128xf32, #tpu.memory_space<vmem>>
        %dma_start3A_98 = arith.constant 0 : i32
        %dma_start3A_99 = tpu.memref_slice %arg5[%add3A_94, %dma_start3A_98] : memref<200x128xi32, #tpu.memory_space<vmem>> -> memref<1x128xi32, #tpu.memory_space<vmem>>
        %dma_start3A_100 = tpu.memref_squeeze %dma_start3A_99 : memref<1x128xi32, #tpu.memory_space<vmem>> -> memref<128xi32, #tpu.memory_space<vmem>>
        %dma_start3A_101 = arith.constant 0 : i32
        %dma_start3A_102 = arith.constant 0 : i32
        %dma_start3A_103 = tpu.memref_slice %arg3[%dma_start3A_101, %dma_start3A_102] : memref<500000x128xf32, #tpu.memory_space<hbm>> -> memref<500000x128xf32, #tpu.memory_space<hbm>>
        tpu.enqueue_indirect_dma source(%dma_start3A_103 : memref<500000x128xf32, #tpu.memory_space<hbm>>) target(%dma_start3A_97 : memref<128x128xf32, #tpu.memory_space<vmem>>) offsets(%dma_start3A_100 : memref<128xi32, #tpu.memory_space<vmem>>) semaphore(%arg8 : memref<!tpu.dma_semaphore, #tpu.memory_space<semaphore_mem>>)
        %mul3A_104 = arith.constant 2 : i32
        %mul3A_105 = arith.muli %add3A_90, %mul3A_104 : i32
        %add3A_106 = arith.constant 1 : i32
        %add3A_107 = arith.addi %mul3A_105, %add3A_106 : i32
        %dma_start3A_108 = arith.constant 128 : i32
        %dma_start3A_109 = arith.constant 0 : i32
        %dma_start3A_110 = tpu.memref_slice %arg6[%dma_start3A_108, %dma_start3A_109] : memref<256x128xf32, #tpu.memory_space<vmem>> -> memref<128x128xf32, #tpu.memory_space<vmem>>
        %dma_start3A_111 = arith.constant 0 : i32
        %dma_start3A_112 = tpu.memref_slice %arg5[%add3A_107, %dma_start3A_111] : memref<200x128xi32, #tpu.memory_space<vmem>> -> memref<1x128xi32, #tpu.memory_space<vmem>>
        %dma_start3A_113 = tpu.memref_squeeze %dma_start3A_112 : memref<1x128xi32, #tpu.memory_space<vmem>> -> memref<128xi32, #tpu.memory_space<vmem>>
        %dma_start3A_114 = arith.constant 0 : i32
        %dma_start3A_115 = arith.constant 0 : i32
        %dma_start3A_116 = tpu.memref_slice %arg3[%dma_start3A_114, %dma_start3A_115] : memref<500000x128xf32, #tpu.memory_space<hbm>> -> memref<500000x128xf32, #tpu.memory_space<hbm>>
        tpu.enqueue_indirect_dma source(%dma_start3A_116 : memref<500000x128xf32, #tpu.memory_space<hbm>>) target(%dma_start3A_110 : memref<128x128xf32, #tpu.memory_space<vmem>>) offsets(%dma_start3A_113 : memref<128xi32, #tpu.memory_space<vmem>>) semaphore(%arg8 : memref<!tpu.dma_semaphore, #tpu.memory_space<semaphore_mem>>)
      } else {
      }
      %mul3A_69 = arith.constant 2 : i32
      %mul3A_70 = arith.muli %mul3A_69, %add3A_52 : i32
      %add3A_71 = arith.constant 1 : i32
      %add3A_72 = arith.addi %mul3A_70, %add3A_71 : i32
      %dma_wait3A_73 = arith.constant 0 : i32
      %dma_wait3A_74 = arith.constant 0 : i32
      %dma_wait3A_75 = tpu.memref_slice %arg3[%dma_wait3A_73, %dma_wait3A_74] : memref<500000x128xf32, #tpu.memory_space<hbm>> -> memref<256x128xf32, #tpu.memory_space<hbm>>
      %dma_wait3A_76 = arith.constant 0 : i32
      %dma_wait3A_77 = arith.constant 0 : i32
      %dma_wait3A_78 = tpu.memref_slice %arg3[%dma_wait3A_76, %dma_wait3A_77] : memref<500000x128xf32, #tpu.memory_space<hbm>> -> memref<256x128xf32, #tpu.memory_space<hbm>>
      tpu.wait_dma2 semaphore(%arg9 : memref<!tpu.dma_semaphore, #tpu.memory_space<semaphore_mem>>) src(%dma_wait3A_78 : memref<256x128xf32, #tpu.memory_space<hbm>>) dst(%arg7 : memref<256x128xf32, #tpu.memory_space<vmem>>)
      %mul3A_79 = arith.constant 256 : i32
      %mul3A_80 = arith.muli %add3A_72, %mul3A_79 : i32
      %add3A_81 = arith.addi %mul3A_4, %mul3A_80 : i32
      "tpu.region"() ({
        %run_scoped3A = tpu.sem_alloc : memref<!tpu.dma_semaphore, #tpu.memory_space<semaphore_mem>>
        %dma_start3A_89 = arith.constant 0 : i32
        %dma_start3A_90 = tpu.memref_slice %arg4[%add3A_81, %dma_start3A_89] : memref<819200x128xf32, #tpu.memory_space<hbm>> -> memref<256x128xf32, #tpu.memory_space<hbm>>
        %dma_start3A_91 = arith.constant 0 : i32
        %dma_start3A_92 = tpu.memref_slice %arg4[%add3A_81, %dma_start3A_91] : memref<819200x128xf32, #tpu.memory_space<hbm>> -> memref<256x128xf32, #tpu.memory_space<hbm>>
        tpu.enqueue_dma source(%arg7 : memref<256x128xf32, #tpu.memory_space<vmem>>) target(%dma_start3A_92 : memref<256x128xf32, #tpu.memory_space<hbm>>) target_semaphore(%run_scoped3A : memref<!tpu.dma_semaphore, #tpu.memory_space<semaphore_mem>>)
        %dma_wait3A_93 = arith.constant 0 : i32
        %dma_wait3A_94 = tpu.memref_slice %arg4[%add3A_81, %dma_wait3A_93] : memref<819200x128xf32, #tpu.memory_space<hbm>> -> memref<256x128xf32, #tpu.memory_space<hbm>>
        %dma_wait3A_95 = arith.constant 0 : i32
        %dma_wait3A_96 = tpu.memref_slice %arg4[%add3A_81, %dma_wait3A_95] : memref<819200x128xf32, #tpu.memory_space<hbm>> -> memref<256x128xf32, #tpu.memory_space<hbm>>
        tpu.wait_dma2 semaphore(%run_scoped3A : memref<!tpu.dma_semaphore, #tpu.memory_space<semaphore_mem>>) src(%arg7 : memref<256x128xf32, #tpu.memory_space<vmem>>) dst(%dma_wait3A_96 : memref<256x128xf32, #tpu.memory_space<hbm>>)
        tpu.yield
      }) : () -> ()
      %add3A_82 = arith.constant 2 : i32
      %add3A_83 = arith.addi %add3A_72, %add3A_82 : i32
      %lt3A_84 = arith.constant 100 : i32
      %lt3A_85 = arith.cmpi slt, %add3A_83, %lt3A_84 : i32
      %convert_element_type3A_86 = arith.extui %lt3A_85 : i1 to i32
      %cond3A_87 = arith.constant 0 : i32
      %cond3A_88 = arith.cmpi ne, %convert_element_type3A_86, %cond3A_87 : i32
      scf.if %cond3A_88 {
        %add3A_89 = arith.constant 2 : i32
        %add3A_90 = arith.addi %add3A_72, %add3A_89 : i32
        %mul3A_91 = arith.constant 2 : i32
        %mul3A_92 = arith.muli %add3A_90, %mul3A_91 : i32
        %add3A_93 = arith.constant 0 : i32
        %add3A_94 = arith.addi %mul3A_92, %add3A_93 : i32
        %dma_start3A_95 = arith.constant 0 : i32
        %dma_start3A_96 = arith.constant 0 : i32
        %dma_start3A_97 = tpu.memref_slice %arg7[%dma_start3A_95, %dma_start3A_96] : memref<256x128xf32, #tpu.memory_space<vmem>> -> memref<128x128xf32, #tpu.memory_space<vmem>>
        %dma_start3A_98 = arith.constant 0 : i32
        %dma_start3A_99 = tpu.memref_slice %arg5[%add3A_94, %dma_start3A_98] : memref<200x128xi32, #tpu.memory_space<vmem>> -> memref<1x128xi32, #tpu.memory_space<vmem>>
        %dma_start3A_100 = tpu.memref_squeeze %dma_start3A_99 : memref<1x128xi32, #tpu.memory_space<vmem>> -> memref<128xi32, #tpu.memory_space<vmem>>
        %dma_start3A_101 = arith.constant 0 : i32
        %dma_start3A_102 = arith.constant 0 : i32
        %dma_start3A_103 = tpu.memref_slice %arg3[%dma_start3A_101, %dma_start3A_102] : memref<500000x128xf32, #tpu.memory_space<hbm>> -> memref<500000x128xf32, #tpu.memory_space<hbm>>
        tpu.enqueue_indirect_dma source(%dma_start3A_103 : memref<500000x128xf32, #tpu.memory_space<hbm>>) target(%dma_start3A_97 : memref<128x128xf32, #tpu.memory_space<vmem>>) offsets(%dma_start3A_100 : memref<128xi32, #tpu.memory_space<vmem>>) semaphore(%arg9 : memref<!tpu.dma_semaphore, #tpu.memory_space<semaphore_mem>>)
        %mul3A_104 = arith.constant 2 : i32
        %mul3A_105 = arith.muli %add3A_90, %mul3A_104 : i32
        %add3A_106 = arith.constant 1 : i32
        %add3A_107 = arith.addi %mul3A_105, %add3A_106 : i32
        %dma_start3A_108 = arith.constant 128 : i32
        %dma_start3A_109 = arith.constant 0 : i32
        %dma_start3A_110 = tpu.memref_slice %arg7[%dma_start3A_108, %dma_start3A_109] : memref<256x128xf32, #tpu.memory_space<vmem>> -> memref<128x128xf32, #tpu.memory_space<vmem>>
        %dma_start3A_111 = arith.constant 0 : i32
        %dma_start3A_112 = tpu.memref_slice %arg5[%add3A_107, %dma_start3A_111] : memref<200x128xi32, #tpu.memory_space<vmem>> -> memref<1x128xi32, #tpu.memory_space<vmem>>
        %dma_start3A_113 = tpu.memref_squeeze %dma_start3A_112 : memref<1x128xi32, #tpu.memory_space<vmem>> -> memref<128xi32, #tpu.memory_space<vmem>>
        %dma_start3A_114 = arith.constant 0 : i32
        %dma_start3A_115 = arith.constant 0 : i32
        %dma_start3A_116 = tpu.memref_slice %arg3[%dma_start3A_114, %dma_start3A_115] : memref<500000x128xf32, #tpu.memory_space<hbm>> -> memref<500000x128xf32, #tpu.memory_space<hbm>>
        tpu.enqueue_indirect_dma source(%dma_start3A_116 : memref<500000x128xf32, #tpu.memory_space<hbm>>) target(%dma_start3A_110 : memref<128x128xf32, #tpu.memory_space<vmem>>) offsets(%dma_start3A_113 : memref<128xi32, #tpu.memory_space<vmem>>) semaphore(%arg9 : memref<!tpu.dma_semaphore, #tpu.memory_space<semaphore_mem>>)
      } else {
      }
    }
    %scan3A_47 = arith.constant 50 : i32
    return
  }
}

module attributes {stable_mosaic.version = 14 : i64} {
  func.func @body(%arg0: i32, %arg1: memref<8192x128xf32, #tpu.memory_space<vmem>>, %arg2: memref<8192x1xi32, #tpu.memory_space<vmem>>, %arg3: memref<8192x64xf32, #tpu.memory_space<vmem>>) attributes {dimension_semantics = [#tpu.dimension_semantics<arbitrary>], iteration_bounds = array<i64: 100>, scalar_prefetch = 0 : i64, scratch_operands = 0 : i64, tpu.core_type = #tpu.core_type<tc>, window_params = [{transform_indices = @transform_0, window_bounds = array<i64: 8192, 128>}, {transform_indices = @transform_1, window_bounds = array<i64: 8192, 1>}, {transform_indices = @transform_2, window_bounds = array<i64: 8192, 64>}]} {
    %get3A = arith.constant 0 : index
    %get3A_0 = arith.constant 0 : index
    %get3A_1 = vector.load %arg1[%get3A, %get3A_0] : memref<8192x128xf32, #tpu.memory_space<vmem>>, vector<8192x128xf32>
    %get3A_2 = arith.constant 0 : index
    %get3A_3 = arith.constant 0 : index
    %get3A_4 = vector.load %arg2[%get3A_2, %get3A_3] : memref<8192x1xi32, #tpu.memory_space<vmem>>, vector<8192x1xi32>
    %eq3A = arith.constant 1 : i32
    %eq3A_5 = vector.broadcast %eq3A : i32 to vector<8192x1xi32>
    %eq3A_6 = arith.cmpi eq, %get3A_4, %eq3A_5 : vector<8192x1xi32>
    %slice3A = vector.extract_strided_slice %get3A_1 {offsets = [0, 64], sizes = [8192, 64], strides = [1, 1]} : vector<8192x128xf32> to vector<8192x64xf32>
    %slice3A_7 = vector.extract_strided_slice %get3A_1 {offsets = [0, 0], sizes = [8192, 64], strides = [1, 1]} : vector<8192x128xf32> to vector<8192x64xf32>
    %broadcast_in_dim3A = vector.shape_cast %eq3A_6 : vector<8192x1xi1> to vector<8192x1xi1>
    %broadcast_in_dim3A_8 = vector.broadcast %broadcast_in_dim3A : vector<8192x1xi1> to vector<8192x64xi1>
    %select_n3A = arith.select %broadcast_in_dim3A_8, %slice3A, %slice3A_7 : vector<8192x64xi1>, vector<8192x64xf32>
    %swap3A = arith.constant 0 : index
    %swap3A_9 = arith.constant 0 : index
    %swap3A_10 = vector.load %arg3[%swap3A, %swap3A_9] : memref<8192x64xf32, #tpu.memory_space<vmem>>, vector<8192x64xf32>
    tpu.vector_store %arg3[%swap3A, %swap3A_9], %select_n3A {strides = array<i32>} : memref<8192x64xf32, #tpu.memory_space<vmem>>, vector<8192x64xf32>,
    return
  }
  func.func @transform_0(%arg0: i32) -> (i32, i32) {
    %c0_i32 = arith.constant 0 : i32
    %c0_i32_0 = arith.constant 0 : i32
    return %arg0, %c0_i32 : i32, i32
  }
  func.func @transform_1(%arg0: i32) -> (i32, i32) {
    %c0_i32 = arith.constant 0 : i32
    %c0_i32_0 = arith.constant 0 : i32
    return %arg0, %c0_i32 : i32, i32
  }
  func.func @transform_2(%arg0: i32) -> (i32, i32) {
    %c0_i32 = arith.constant 0 : i32
    %c0_i32_0 = arith.constant 0 : i32
    return %arg0, %c0_i32 : i32, i32
  }
}

module attributes {stable_mosaic.version = 14 : i64} {
  func.func @body(%arg0: memref<4096x200xi32, #tpu.memory_space<vmem>>, %arg1: memref<4096x200xi32, #tpu.memory_space<vmem>>) attributes {dimension_semantics = [], scalar_prefetch = 0 : i64, scratch_operands = 0 : i64, tpu.core_type = #tpu.core_type<tc>} {
    %get3A = arith.constant 0 : index
    %get3A_0 = arith.constant 0 : index
    %get3A_1 = vector.load %arg0[%get3A, %get3A_0] : memref<4096x200xi32, #tpu.memory_space<vmem>>, vector<4096x200xi32>
    %gt3A = arith.constant 0 : i32
    %gt3A_2 = vector.broadcast %gt3A : i32 to vector<4096x200xi32>
    %gt3A_3 = arith.cmpi sgt, %get3A_1, %gt3A_2 : vector<4096x200xi32>
    %swap3A = arith.constant 0 : index
    %swap3A_4 = arith.constant 0 : index
    %swap3A_5 = vector.load %arg1[%swap3A, %swap3A_4] : memref<4096x200xi32, #tpu.memory_space<vmem>>, vector<4096x200xi32>
    %swap3A_6 = arith.extui %gt3A_3 : vector<4096x200xi1> to vector<4096x200xi32>
    %swap3A_7 = arith.constant dense<0> : vector<4096x200xi32>
    %swap3A_8 = arith.cmpi ne, %swap3A_5, %swap3A_7 : vector<4096x200xi32>
    tpu.vector_store %arg1[%swap3A, %swap3A_4], %swap3A_6 {strides = array<i32>} : memref<4096x200xi32, #tpu.memory_space<vmem>>, vector<4096x200xi32>,
    return
  }
}

</mosaic_0001>

<sc_bundles>
// kernel: kernel.5.cloned.1.call-start
scs
__scs_entry_jumppad:
0x0: {  	(pc) =	sbr.rel $0x88, $3  }
0x1: {  	(tag) =	ssettag $0x0;
	lr =	simm.s32 $0x1  }
0x2: {  	[smem:$0x3F9F] =	sst lr;
	_ =	strace $0xD0000000  }
0x3: {  	_ = 	snop  }
0x4: {  	_ = 	snop  }
0x5: {  	_ = 	snop  }
0x6: {  	_ = 	snop  }
0x7: {  	_ = 	snop  }
__scs_overlays_trampoline_lowered:
0x8: {  	[smem:$0x3FAE] =	sst s0  }
0x9: {  	[smem:$0x3FAF] =	sst s1  }
0xa: {  	[smem:$0x3FB0] =	sst s2  }
0xb: {  	[smem:$0x3FB1] =	sst s3  }
0xc: {  	[smem:$0x3FB2] =	sst s4  }
0xd: {  	[smem:$0x3FB3] =	sst s5  }
0xe: {  	[smem:$0x3FB4] =	sst s6  }
0xf: {  	[smem:$0x3FB5] =	sst s7  }
0x10: {  	[smem:$0x3FB6] =	sst s8  }
0x11: {  	[smem:$0x3FB7] =	sst s9;
	s0 =	simm.s32 @!p0 $0x0  }
0x12: {  	s1 =	sld [smem:$0x3F9D];
	s0 =	simm.s32 @p0 $0x1  }
0x13: {  	[smem:$0x3FB8] =	sst s0;
	s0 =	simm.s32 @!p1 $0x0  }
0x14: {  	s2 =	sld [smem:$0x3F9C];
	s0 =	simm.s32 @p1 $0x1  }
0x15: {  	[smem:$0x3FB9] =	sst s0;
	s0 =	simm.s32 @!p2 $0x0  }
0x16: {  	s3 =	sld [smem:$0x3FDB];
	s0 =	simm.s32 @p2 $0x1  }
0x17: {  	s4 =	simm.s32 $0x1BF5;
	[smem:$0x3FBB] =	sst s0  }
0x18: {  	s0 =	sld [smem:$0x3F9E];
	_ =	swait.ge [sflag:s4], $0x0  }
0x19: {  	s7 =	sld [smem:$0x3F9F]  }
0x1a: {  	s8 =	sadd.s32 $0xFFFFE003, lr  }
0x1b: {  	s9 =	sadd.s32 $0xFFFFFEF7, lr;
	s5 =	simm.s32 $0xFFFFFFFF;
	p2 =	slt.u32 s8, $0xFFFFF086  }
0x1c: {  	p1 =	slt.u32 s9, $0xF7A;
	s5 =	simm.s32 @!p2 $0x0  }
0x1d: {  	s5 =	simm.s32 @p1 $0x1;
	p0 =	seq.s32 s7, s2  }
0x1e: {  	s7 =	smul.u32 @!p0 $0xF7A, s2;
	p2 =	seq.s32 @!p0 s5, $0x0  }
0x1f: {  	s9 =	smul.u32 $0xF7A, s1;
	s8 =	simm.s32 @!p0 $0x1BF5;
	p2 =	por !p2, p0  }
0x20: {  	[sflag:s8] =	ssyncset.s32 @!p0 $0xFFFFF086;
	s6 =	sadd.s32 @!p0 s3, s7;
	s7 =	simm.s32 @!p0 $0x108  }
0x21: {  	s3 =	sadd.s32 s3, s9;
	s6 =	sadd.s32 @!p0 $0x88, s6;
	s7 =	simm.s32 @p2 $0x1082  }
0x22: {  	[simem:s7], [sflag:s8] =	dma.local @!p0 [hbm:s6], $0xF7A  }
0x23: {  	s9 =	sor.u32 $0xD0000000, s2;
	s6 =	simm.s32 $0x108;
	_ =	swait.ge @!p0 [sflag:s8], $0x0  }
0x24: {  	s3 =	sadd.s32 $0x88, s3;
	s6 =	simm.s32 @!p1 $0x1082;
	[sflag:s4] =	ssyncset.s32 $0xFFFFF086  }
0x25: {  	[simem:s6], [sflag:s4] =	dma.local [hbm:s3], $0xF7A  }
0x26: {  	[smem:$0x3F9F] =	sst s1;
	(tag) =	ssettag s2;
	_ =	strace s9  }
0x27: {  	s1 =	sld [smem:$0x3FAF]  }
0x28: {  	s2 =	sld [smem:$0x3FB0]  }
0x29: {  	s4 =	sld [smem:$0x3FB2]  }
0x2a: {  	p0 =	seq.s32 s5, $0x0;
	s5 =	sld [smem:$0x3FB3]  }
0x2b: {  	s6 =	sld [smem:$0x3FB4]  }
0x2c: {  	s7 =	sld [smem:$0x3FB5]  }
0x2d: {  	s3 =	simm.s32 $0x108;
	s8 =	sld [smem:$0x3FB6]  }
0x2e: {  	s3 =	simm.s32 @!p0 $0x1082;
	s9 =	sld [smem:$0x3FB7]  }
0x2f: {  	lr =	sadd.s32 s0, s3;
	s0 =	sld [smem:$0x3FAE]  }
0x30: {  	s3 =	sld [smem:$0x3FB1]  }
0x31: {  	[smem:$0x3FBA] =	sst s10  }
0x32: {  	s10 =	sld [smem:$0x3FB8];
	_ =	sdelay $0x3  }
0x33: {  	p0 =	seq.s32 s10, $0x1;
	s10 =	sld [smem:$0x3FBA];
	_ =	sdelay $0x3  }
0x34: {  	[smem:$0x3FBA] =	sst s10  }
0x35: {  	s10 =	sld [smem:$0x3FB9];
	_ =	sdelay $0x3  }
0x36: {  	p1 =	seq.s32 s10, $0x1;
	s10 =	sld [smem:$0x3FBA];
	_ =	sdelay $0x3  }
0x37: {  	[smem:$0x3FBA] =	sst s10  }
0x38: {  	s10 =	sld [smem:$0x3FBB]  }
0x39: {  	_ = 	snop;
	(pc) =	sbr.ind lr, $3  }
0x3a: {  	_ = 	snop  }
0x3b: {  	_ = 	snop  }
0x3c: {  	p2 =	seq.s32 s10, $0x1;
	s10 =	sld [smem:$0x3FBA]  }
0x3d: {  	_ =	shalt  }
0x3e: {  	_ =	shalt  }
0x3f: {  	_ =	shalt  }
0x40: {  	_ =	shalt  }
0x41: {  	_ =	shalt  }
0x42: {  	_ =	shalt  }
0x43: {  	_ =	shalt  }
0x44: {  	_ =	shalt  }
0x45: {  	_ =	shalt  }
0x46: {  	_ =	shalt  }
0x47: {  	_ =	shalt  }
0x48: {  	_ =	shalt  }
0x49: {  	_ =	shalt  }
0x4a: {  	_ =	shalt  }
0x4b: {  	_ =	shalt  }
0x4c: {  	_ =	shalt  }
0x4d: {  	_ =	shalt  }
0x4e: {  	_ =	shalt  }
0x4f: {  	_ =	shalt  }
0x50: {  	_ =	shalt  }
0x51: {  	_ =	shalt  }
0x52: {  	_ =	shalt  }
0x53: {  	_ =	shalt  }
0x54: {  	_ =	shalt  }
0x55: {  	_ =	shalt  }
0x56: {  	_ =	shalt  }
0x57: {  	_ =	shalt  }
0x58: {  	_ =	shalt  }
0x59: {  	_ =	shalt  }
0x5a: {  	_ =	shalt  }
0x5b: {  	_ =	shalt  }
0x5c: {  	_ =	shalt  }
0x5d: {  	_ =	shalt  }
0x5e: {  	_ =	shalt  }
0x5f: {  	_ =	shalt  }
0x60: {  	_ =	shalt  }
0x61: {  	_ =	shalt  }
0x62: {  	_ =	shalt  }
0x63: {  	_ =	shalt  }
0x64: {  	_ =	shalt  }
0x65: {  	_ =	shalt  }
0x66: {  	_ =	shalt  }
0x67: {  	_ =	shalt  }
0x68: {  	_ =	shalt  }
0x69: {  	_ =	shalt  }
0x6a: {  	_ =	shalt  }
0x6b: {  	_ =	shalt  }
0x6c: {  	_ =	shalt  }
0x6d: {  	_ =	shalt  }
0x6e: {  	_ =	shalt  }
0x6f: {  	_ =	shalt  }
0x70: {  	_ =	shalt  }
0x71: {  	_ =	shalt  }
0x72: {  	_ =	shalt  }
0x73: {  	_ =	shalt  }
0x74: {  	_ =	shalt  }
0x75: {  	_ =	shalt  }
0x76: {  	_ =	shalt  }
0x77: {  	_ =	shalt  }
0x78: {  	_ =	shalt  }
0x79: {  	_ =	shalt  }
0x7a: {  	_ =	shalt  }
0x7b: {  	_ =	shalt  }
0x7c: {  	_ =	shalt  }
0x7d: {  	_ =	shalt  }
0x7e: {  	_ =	shalt  }
0x7f: {  	_ =	shalt  }
0x80: {  	_ =	shalt  }
0x81: {  	_ =	shalt  }
0x82: {  	_ =	shalt  }
0x83: {  	_ =	shalt  }
0x84: {  	_ =	shalt  }
0x85: {  	_ =	shalt  }
0x86: {  	_ =	shalt  }
0x87: {  	_ =	shalt  }
.Lfunc_end0:
.L_simem_size_0:
called_computation.1_lowered:
.L_overlay_start_0:
0x88: {  	s2 =	sld [smem:$0x3FD9]  }
0x89: {  	s3 =	sld [smem:$0x3FFE];
	_ =	sdelay $0x1  }
0x8a: {  	s1 =	srdreg.scid  }
0x8b: {  	s0 =	sand.u32 $0x1, s1  }
0x8c: {  	s16 =	sshll.u32 s0, $0xA;
	s2 =	sadd.s32 s3, s2  }
0x8d: {  	s2 =	sadd.s32 s2, s16  }
0x8e: {  	[smem:$0x3FC6] =	sst s2  }
0x8f: {  	_ = 	snop  }
0x90: {  	(tm) =	ssettm $0x1  }
0x91: {  	s17 =	sld [smem:$0x3FFB];
	_ =	sdelay $0x3  }
0x92: {  	_ =	strace s17  }
0x93: {  	s2 =	sld [smem:$0x3FFC];
	_ =	sdelay $0x3  }
0x94: {  	_ =	strace s2  }
0x95: {  	s2 =	sld [smem:$0x3FFD];
	_ =	sdelay $0x3  }
0x96: {  	_ =	strace s2  }
0x97: {  	_ =	strace $0x8FFFFFFF  }
0x98: {  	s18 =	sld [smem:$0x3FDB];
	_ =	sdelay $0x1  }
0x99: {  	s19 =	simm.s32 $_scs_section_size  }
0x9a: {  	s4 =	simm.s32 $_size__tile_overlayer_lowered;
	s5 =	simm.s32 $_tile_overlayer_lowered  }
0x9b: {  	s22 =	simm.s32 $0x1BFF;
	s21 =	sshll.u32 s5, $0x1;
	s2 =	sadd.s32 s19, s18  }
0x9c: {  	s6 =	simm.s32 $0x0;
	s20 =	sshll.u32 s4, $0x1;
	s4 =	sadd.s32 s21, s2  }
0x9d: {  	[timem:s6], [sflag:s22] =	dma.local [hbm:s4], s20  }
0x9e: {  	_ =	swait.ge [sflag:s22], s20  }
0x9f: {  	s3 =	ssub.s32 $0x0, s20;
	[sflag:s22] =	ssyncset.done $0x0  }
0xa0: {  	[sflag:s22] =	ssyncadd.s32 s3;
	_ =	sdelay $0x1  }
0xa1: {  	s23 =	simm.s32 $0x1B8B  }
0xa2: {  	_ =	swait.ge [sflag:s23], $0x1  }
0xa3: {  	[sflag:s23] =	ssyncset.done $0x0  }
0xa4: {  	s25 =	simm.s32 $0x1B8E;
	s24 =	sld [smem:$0x3FFE];
	[sflag:s23] =	ssyncadd.s32 $0xFFFFFFFF  }
0xa5: {  	s26 =	simm.s32 $execute0_lowered;
	[smem:$0x3FD2] =	sst s25  }
0xa6: {  	s4 =	sshll.u32 s26, $0x1;
	_ =	strace $0x80000046;
	[dreg:$0x1] =	wrdreg $0xFFFFFFFF  }
0xa7: {  	s28 =	simm.s32 $_size_execute0_lowered;
	s2 =	sadd.s32 s2, s4;
	[dreg:$0x0] =	wrdreg $0x0  }
0xa8: {  	s4 =	sshll.u32 s28, $0x1;
	[dreg:$0x2] =	wrdreg s2  }
0xa9: {  	[dreg:$0x3] =	wrdreg s4  }
0xaa: {  	[dreg:$0x4] =	wrdreg $0xC0  }
0xab: {  	_ =	task [dreg:s6], $0x5FFFF  }
0xac: {  	[dreg:$0x1] =	wrdreg $0xFFFFFFFF  }
0xad: {  	[dreg:$0x0] =	wrdreg $0x60  }
0xae: {  	[dreg:$0x2] =	wrdreg s24  }
0xaf: {  	[dreg:$0x3] =	wrdreg $0x9  }
0xb0: {  	_ =	task.clear_ibuf [dreg:s6], $0x4FFFF;
	_ =	strace $0x90000046  }
0xb1: {  	s29 =	simm.s32 $0x9;
	_ =	strace $0x80000048  }
0xb2: {  	_ =	swait.ge [sflag:s29], $0x1  }
0xb3: {  	[sflag:s29] =	ssyncadd.s32 $0xFFFFFFFF  }
0xb4: {  	_ =	strace $0x90000048  }
0xb5: {  	_ =	sfence  }
0xb6: {  	s30 =	sld [smem:$0x0];
	_ =	sdelay $0x2  }
0xb7: {  	s31 =	sshll.u32 s1, $0xD;
	s1 =	sshrl.u32 s1, $0x2  }
0xb8: {  	s3 =	sand.u32 $0x4000, s31;
	s1 =	sadd.s32 s1, s30  }
0xb9: {  	s0 =	sor.u32 s3, s0;
	s1 =	sshll.u32 s1, $0x11  }
0xba: {  	s0 =	sor.u32 s1, s0  }
0xbb: {  	s0 =	sadd.s32 $0x8F2B, s0  }
0xbc: {  	[sflag:s0] =	ssyncadd.remote.s32 $0x1  }
0xbd: {  	_ =	sfence.sel $0xFFFF  }
0xbe: {  	[dreg:$0x0] =	wrdreg $0xFFFFFFFF;
	(pc) =	sbr.abs _section_cstart, $3  }
0xbf: {  	[dreg:$0x1] =	wrdreg $0xFFFFFFFF  }
0xc0: {  	_ =	task.clear_ibuf [dreg:s6], $0x2FFFF;
	_ =	strace $0x9FFFFFFF  }
0xc1: {  	(tm) =	ssettm $0x7FFFFFFF  }
tec
execute0_lowered:
.L_overlay_start_1:
0x0: {  	(tag) =	ssettag $0x1  }
0x1: {  	s1 =	srdreg.scid;
	s0 =	stileid.u32  }
0x2: {  	s4 =	rddreg [dreg:$0x0];
	s2 =	simm.s32 $0x0;
	s14 =	simm.s32 $0x100  }
0x3: {  	s15 =	simm.s32 $0xE400;
	s16 =	simm.s32 $0x180;
	s10 =	smul.u32 $0xC8000, s0  }
0x4: {  	s17 =	simm.s32 $0x12400;
	s5 =	sand.u32 $0x1, s1;
	s13 =	smul.u32 $0x640000, s0  }
0x5: {  	s18 =	simm.s32 $0x1;
	s24 =	sshll.u32 s0, $0x1;
	s12 =	smul.u32 $0x64000, s5  }
0x6: {  	s19 =	simm.s32 $0x2;
	s3 =	sor.u32 s5, s24;
	s28 =	smul.u32 $0x320000, s5  }
0x7: {  	s20 =	simm.s32 $0x0;
	s1 =	rddreg [dreg:$0x1];
	s6 =	smul.u32 $0xC80, s3  }
0x8: {  	[smem:$0x7FF] =	sst s2;
	s11 =	sadd.s32 $0x19E00, s4;
	s7 =	smul.u32 $0x320000, s3  }
0x9: {  	_ =	strace $0x80000047;
	s9 =	ssub.s32 $0x2, s5;
	s8 =	smul.u32 $0x64000, s3  }
0xa: {  	s3 =	sadd.s32 $0xF5C200, s4;
	s25 =	sshrl.u32 s9, $0x1;
	s29 =	sadd.s32 s10, s11  }
0xb: {  	s10 =	simm.s32 $0x3;
	s9 =	ssub.s32 s9, s25;
	s30 =	sadd.s32 s28, s13  }
0xc: {  	s13 =	simm.s32 $0xA400;
	s6 =	sadd.s32 s6, s4;
	s7 =	sshrl.u32 s7, $0x3  }
0xd: {  	s5 =	smax.u32 s9, $0x1;
	s8 =	sadd.s32 s8, s11;
	s9 =	sadd.s32 s12, s29  }
0xe: {  	s31 =	sshrl.u32 s30, $0x3;
	s12 =	simm.s32 $0x6400;
	s4 =	sadd.s32 $0xE00, s6  }
0xf: {  	s26 =	sadd.s32 s11, s7;
	s7 =	sadd.s32 $0x63000, s8;
	s8 =	sadd.s32 $0x1000, s9  }
0x10: {  	s9 =	sadd.s32 s31, s11;
	s11 =	simm.s32 $0x80;
	s6 =	sadd.s32 $0x62000, s26  }
.LBB2_1:
0x11: {  	[tilespmem:s2], [sflag:$0x3] =	stream.linear.gather [hbm4b:s4+s2], $0x6400, $0x38;
	[tilespmem:$0x16400] =	vst v63  }
0x12: {  	_ =	swait.ge [sflag:s10], $0x6400  }
0x13: {  	[sflag:s10] =	ssyncset.done $0x0  }
0x14: {  	[sflag:s10] =	ssyncadd.s32 $0xFFFF9C00  }
0x15: {  	[tilespmem:s12], [sflag:$0x1] =	stream.indirect.gather [hbm4b:s3+s11], $0x80, s2, s11, $0xb8;
	[tilespmem:$0x16400] =	vst v63  }
0x16: {  	_ = 	snop  }
0x17: {  	[tilespmem:s13], [sflag:$0x1] =	stream.indirect.gather [hbm4b:s3+s11], $0x80, s11, s11, $0xb8;
	[tilespmem:$0x16400] =	vst v63  }
0x18: {  	_ = 	snop  }
0x19: {  	[tilespmem:s15], [sflag:$0x2] =	stream.indirect.gather [hbm4b:s3+s11], $0x80, s14, s11, $0xb8;
	[tilespmem:$0x16400] =	vst v63  }
0x1a: {  	_ = 	snop  }
0x1b: {  	[tilespmem:s17], [sflag:$0x2] =	stream.indirect.gather [hbm4b:s3+s11], $0x80, s16, s11, $0xb8;
	[tilespmem:$0x16400] =	vst v63  }
0x1c: {  	_ =	swait.ge [sflag:s18], $0x8000  }
0x1d: {  	[sflag:s18] =	ssyncset.done $0x0  }
0x1e: {  	[sflag:s18] =	ssyncadd.s32 $0xFFFF8000  }
0x1f: {  	[hbm4b:s9+s2] =	stream.linear.scatter [tilespmem:s12], [sflag:$0x3], $0x8000, $0x38;
	[tilespmem:$0x16400] =	vst v63  }
0x20: {  	_ =	swait.ge [sflag:s10], $0x8000  }
0x21: {  	[sflag:s10] =	ssyncset.done $0x0  }
0x22: {  	s21 =	simm.s32 $0x200;
	[sflag:s10] =	ssyncadd.s32 $0xFFFF8000  }
0x23: {  	[tilespmem:s12], [sflag:$0x1] =	stream.indirect.gather [hbm4b:s3+s11], $0x80, s21, s11, $0xb8;
	[tilespmem:$0x16400] =	vst v63  }
0x24: {  	s30 =	simm.s32 $0x280  }
0x25: {  	[tilespmem:s13], [sflag:$0x1] =	stream.indirect.gather [hbm4b:s3+s11], $0x80, s30, s11, $0xb8;
	[tilespmem:$0x16400] =	vst v63  }
0x26: {  	_ =	swait.ge [sflag:s19], $0x8000  }
0x27: {  	[sflag:s19] =	ssyncset.done $0x0  }
0x28: {  	[sflag:s19] =	ssyncadd.s32 $0xFFFF8000  }
0x29: {  	[hbm4b:s8+s2] =	stream.linear.scatter [tilespmem:s15], [sflag:$0x3], $0x8000, $0x38;
	[tilespmem:$0x16400] =	vst v63  }
0x2a: {  	s31 =	simm.s32 $0x300;
	_ =	swait.ge [sflag:s10], $0x8000  }
0x2b: {  	s24 =	simm.s32 $0x380;
	s22 =	sadd.s32 $0x2000, s8;
	[sflag:s10] =	ssyncset.done $0x0  }
0x2c: {  	s23 =	sadd.s32 $0x2000, s9;
	s21 =	simm.s32 $0x800;
	[sflag:s10] =	ssyncadd.s32 $0xFFFF8000  }
0x2d: {  	[tilespmem:s15], [sflag:$0x2] =	stream.indirect.gather [hbm4b:s3+s11], $0x80, s31, s11, $0xb8;
	[tilespmem:$0x16400] =	vst v63  }
.LBB2_2:
0x2e: {  	[tilespmem:s17], [sflag:$0x2] =	stream.indirect.gather [hbm4b:s3+s11], $0x80, s24, s11, $0xb8;
	[tilespmem:$0x16400] =	vst v63  }
0x2f: {  	s24 =	smov.u32 s21  }
0x30: {  	p0 =	sne.s32 s21, $0x18000;
	s21 =	sadd.s32 $0x800, s21;
	_ =	swait.ge [sflag:s18], $0x8000  }
0x31: {  	[sflag:s18] =	ssyncset.done $0x0  }
0x32: {  	[sflag:s18] =	ssyncadd.s32 $0xFFFF8000  }
0x33: {  	[hbm4b:s23+s2] =	stream.linear.scatter [tilespmem:s12], [sflag:$0x3], $0x8000, $0x38;
	[tilespmem:$0x16400] =	vst v63  }
0x34: {  	_ =	swait.ge [sflag:s10], $0x8000  }
0x35: {  	s24 =	sshra.s32 s24, $0x2;
	[sflag:s10] =	ssyncset.done $0x0  }
0x36: {  	s25 =	sadd.s32 $0x200, s24;
	[sflag:s10] =	ssyncadd.s32 $0xFFFF8000  }
0x37: {  	[tilespmem:s12], [sflag:$0x1] =	stream.indirect.gather [hbm4b:s3+s11], $0x80, s25, s11, $0xb8;
	[tilespmem:$0x16400] =	vst v63  }
0x38: {  	s25 =	sadd.s32 $0x280, s24  }
0x39: {  	[tilespmem:s13], [sflag:$0x1] =	stream.indirect.gather [hbm4b:s3+s11], $0x80, s25, s11, $0xb8;
	[tilespmem:$0x16400] =	vst v63  }
0x3a: {  	_ =	swait.ge [sflag:s19], $0x8000  }
0x3b: {  	[sflag:s19] =	ssyncset.done $0x0  }
0x3c: {  	[sflag:s19] =	ssyncadd.s32 $0xFFFF8000  }
0x3d: {  	[hbm4b:s22+s2] =	stream.linear.scatter [tilespmem:s15], [sflag:$0x3], $0x8000, $0x38;
	[tilespmem:$0x16400] =	vst v63  }
.Ltmp0:
0x3e: {  	_ =	swait.ge [sflag:s10], $0x8000;
	(pc) =	sbr.rel @p0 .LBB2_2-.Ltmp0, $4  }
0x3f: {  	[sflag:s10] =	ssyncset.done $0x0  }
0x40: {  	s25 =	sadd.s32 $0x300, s24;
	[sflag:s10] =	ssyncadd.s32 $0xFFFF8000  }
0x41: {  	[tilespmem:s15], [sflag:$0x2] =	stream.indirect.gather [hbm4b:s3+s11], $0x80, s25, s11, $0xb8;
	[tilespmem:$0x16400] =	vst v63  }
0x42: {  	s23 =	sadd.s32 $0x2000, s23;
	s24 =	sadd.s32 $0x380, s24;
	s22 =	sadd.s32 $0x2000, s22  }
0x43: {  	[tilespmem:s17], [sflag:$0x2] =	stream.indirect.gather [hbm4b:s3+s11], $0x80, s24, s11, $0xb8;
	[tilespmem:$0x16400] =	vst v63  }
0x44: {  	_ =	swait.ge [sflag:s18], $0x8000  }
0x45: {  	[sflag:s18] =	ssyncset.done $0x0  }
0x46: {  	[sflag:s18] =	ssyncadd.s32 $0xFFFF8000  }
0x47: {  	[hbm4b:s6+s2] =	stream.linear.scatter [tilespmem:s12], [sflag:$0x3], $0x8000, $0x38;
	[tilespmem:$0x16400] =	vst v63  }
0x48: {  	_ =	swait.ge [sflag:s10], $0x8000  }
0x49: {  	[sflag:s10] =	ssyncset.done $0x0  }
0x4a: {  	[sflag:s10] =	ssyncadd.s32 $0xFFFF8000  }
0x4b: {  	s20 =	sadd.s32 $0x1, s20;
	_ =	swait.ge [sflag:s19], $0x8000  }
0x4c: {  	p0 =	sne.s32 s20, s5;
	[sflag:s19] =	ssyncset.done $0x0  }
.Ltmp1:
0x4d: {  	[sflag:s19] =	ssyncadd.s32 $0xFFFF8000;
	(pc) =	sbr.rel @p0 .LBB2_1-.Ltmp1, $4  }
0x4e: {  	[hbm4b:s7+s2] =	stream.linear.scatter [tilespmem:s15], [sflag:$0x3], $0x8000, $0x38;
	[tilespmem:$0x16400] =	vst v63  }
0x4f: {  	_ =	swait.ge [sflag:s10], $0x8000  }
0x50: {  	[sflag:s10] =	ssyncset.done $0x0  }
0x51: {  	[sflag:s10] =	ssyncadd.s32 $0xFFFF8000  }
0x52: {  	_ =	sfence.sel $0x180000  }
0x53: {  	[bflag:$0x0] =	sbarrier.arrive $0xFFFF  }
0x54: {  	p0 =	sne.s32 s0, $0x0;
	_ =	strace $0x90000047  }
0x55: {  	s0 =	sadd.s32 @!p0 $0x100000, s1;
	[bflag:$0x2] =	sbarrier.arrive $0xFFFF  }
0x56: {  	[sflag:s0] =	ssyncadd.tile.s32 @!p0 $0x1;
	_ =	shalt  }
.Lfunc_end2:
_tile_overlayer_lowered:
.L_overlay_start_2:
0x57: {  	(tag) =	ssettag $0x2  }
0x58: {  	s0 =	rddreg [dreg:$0x0];
	s2 =	stileid.u32  }
0x59: {  	s1 =	rddreg [dreg:$0x1];
	p0 =	sne.s32 s2, $0x0  }
0x5a: {  	s3 =	rddreg [dreg:$0x2];
	[bflag:$0x3] =	sbarrier.arrive $0xFFFF;
	s2 =	simm.s32 @!p0 $0x1C03  }
0x5b: {  	[timem:s3], [sflag:s2] =	dma.local @!p0 [hbm:s0], s1  }
0x5c: {  	s0 =	simm.s32 @!p0 $0x3  }
0x5d: {  	_ =	swait.ge @!p0 [sflag:s0], s1  }
0x5e: {  	s1 =	ssub.s32 @!p0 $0x0, s1;
	[sflag:s0] =	ssyncset.done @!p0 $0x0  }
0x5f: {  	[sflag:s0] =	ssyncadd.s32 @!p0 s1  }
0x60: {  	[bflag:$0x3] =	sbarrier.arrive $0xFFFF  }
0x61: {  	_ =	shalt  }

// kernel: sparse-core-data-format-call.cloned.1.call-start
scs
called_computation_lowered:
.L_overlay_start_0:
0x0: {  	s2 =	sld [smem:$0x3FD9]  }
0x1: {  	s3 =	sld [smem:$0x3FFE];
	_ =	sdelay $0x1  }
0x2: {  	s1 =	srdreg.scid  }
0x3: {  	s0 =	sand.u32 $0x1, s1  }
0x4: {  	s15 =	sshll.u32 s0, $0xA;
	s2 =	sadd.s32 s3, s2  }
0x5: {  	s2 =	sadd.s32 s2, s15  }
0x6: {  	[smem:$0x3FC6] =	sst s2  }
0x7: {  	_ = 	snop  }
0x8: {  	s2 =	sld [smem:$0x3FD0];
	_ =	sdelay $0x2  }
0x9: {  	s16 =	simm.s32 $0xA;
	s4 =	simm.s32 $0x10  }
0xa: {  	[smem:s4], [sflag:s16] =	dma.local [hbm:s2], $0x1  }
0xb: {  	_ =	swait.eq [sflag:s16], $0x1  }
0xc: {  	[sflag:s16] =	ssyncset.done $0x0  }
0xd: {  	[sflag:s16] =	ssyncadd.s32 $0xFFFFFFFF  }
0xe: {  	s17 =	sld [smem:$0x10];
	(tm) =	ssettm $0x1  }
0xf: {  	s18 =	sld [smem:$0x3FFB];
	_ =	sdelay $0x3  }
0x10: {  	_ =	strace s18  }
0x11: {  	s3 =	sld [smem:$0x3FFC];
	_ =	sdelay $0x3  }
0x12: {  	_ =	strace s3  }
0x13: {  	s3 =	sld [smem:$0x3FFD];
	_ =	sdelay $0x3  }
0x14: {  	_ =	strace s3  }
0x15: {  	_ =	strace $0x8FFFFFFF  }
0x16: {  	s19 =	sld [smem:$0x3FDB];
	_ =	sdelay $0x1  }
0x17: {  	s20 =	simm.s32 $_scs_section_size  }
0x18: {  	s5 =	simm.s32 $_size__tile_overlayer_lowered;
	s6 =	simm.s32 $_tile_overlayer_lowered  }
0x19: {  	s23 =	simm.s32 $0x1BFF;
	s22 =	sshll.u32 s6, $0x1;
	s3 =	sadd.s32 s20, s19  }
0x1a: {  	s7 =	simm.s32 $0x0;
	s21 =	sshll.u32 s5, $0x1;
	s5 =	sadd.s32 s22, s3  }
0x1b: {  	[timem:s7], [sflag:s23] =	dma.local [hbm:s5], s21  }
0x1c: {  	_ =	swait.ge [sflag:s23], s21  }
0x1d: {  	s4 =	ssub.s32 $0x0, s21;
	[sflag:s23] =	ssyncset.done $0x0  }
0x1e: {  	[sflag:s23] =	ssyncadd.s32 s4;
	_ =	sdelay $0x1  }
0x1f: {  	s24 =	simm.s32 $0x1B8B  }
0x20: {  	_ =	swait.ge [sflag:s24], $0x1  }
0x21: {  	[sflag:s24] =	ssyncset.done $0x0  }
0x22: {  	s26 =	simm.s32 $0x1B8E;
	s25 =	sld [smem:$0x3FFE];
	[sflag:s24] =	ssyncadd.s32 $0xFFFFFFFF  }
0x23: {  	s27 =	simm.s32 $execute0_lowered;
	[smem:$0x3FD2] =	sst s26  }
0x24: {  	s5 =	sshll.u32 s27, $0x1;
	_ =	strace $0x80000049;
	[dreg:$0x1] =	wrdreg $0xFFFFFFFF  }
0x25: {  	s28 =	simm.s32 $_size_execute0_lowered;
	s3 =	sadd.s32 s3, s5;
	[dreg:$0x0] =	wrdreg $0x0  }
0x26: {  	s5 =	sshll.u32 s28, $0x1;
	[dreg:$0x2] =	wrdreg s3  }
0x27: {  	[dreg:$0x3] =	wrdreg s5  }
0x28: {  	[dreg:$0x4] =	wrdreg $0xC0  }
0x29: {  	_ =	task [dreg:s7], $0x5FFFF  }
0x2a: {  	[dreg:$0x1] =	wrdreg $0xFFFFFFFF  }
0x2b: {  	[dreg:$0x0] =	wrdreg $0x60  }
0x2c: {  	[dreg:$0x2] =	wrdreg s25  }
0x2d: {  	[dreg:$0x3] =	wrdreg s17  }
0x2e: {  	[dreg:$0x4] =	wrdreg $0x9  }
0x2f: {  	_ =	task.clear_ibuf [dreg:s7], $0x5FFFF;
	_ =	strace $0x90000049  }
0x30: {  	s29 =	simm.s32 $0x9;
	_ =	strace $0x8000004B  }
0x31: {  	_ =	swait.ge [sflag:s29], $0x1  }
0x32: {  	[sflag:s29] =	ssyncadd.s32 $0xFFFFFFFF  }
0x33: {  	_ =	strace $0x9000004B  }
0x34: {  	_ =	sfence  }
0x35: {  	s30 =	sld [smem:$0x0];
	_ =	sdelay $0x2  }
0x36: {  	s31 =	sshll.u32 s1, $0xD;
	s1 =	sshrl.u32 s1, $0x2  }
0x37: {  	s3 =	sand.u32 $0x4000, s31;
	s1 =	sadd.s32 s1, s30  }
0x38: {  	s0 =	sor.u32 s3, s0;
	s1 =	sshll.u32 s1, $0x11  }
0x39: {  	s0 =	sor.u32 s1, s0  }
0x3a: {  	s0 =	sadd.s32 $0x8F2B, s0  }
0x3b: {  	[sflag:s0] =	ssyncadd.remote.s32 $0x1  }
0x3c: {  	_ =	sfence.sel $0xFFFF  }
0x3d: {  	[dreg:$0x0] =	wrdreg $0xFFFFFFFF;
	(pc) =	sbr.abs _section_cstart, $3  }
0x3e: {  	[dreg:$0x1] =	wrdreg $0xFFFFFFFF  }
0x3f: {  	_ =	task.clear_ibuf [dreg:s7], $0x2FFFF;
	_ =	strace $0x9FFFFFFF  }
0x40: {  	(tm) =	ssettm $0x7FFFFFFF  }
0x41: {  	_ =	shalt  }
tec
execute0_lowered:
.L_overlay_start_1:
0x0: {  	(tag) =	ssettag $0x1  }
0x1: {  	s0 =	srdreg.scid  }
0x2: {  	s1 =	sshll.u32 s0, $0x4  }
0x3: {  	s0 =	stileid.u32;
	s1 =	sand.u32 $0x10, s1  }
0x4: {  	s1 =	sor.u32 s0, s1  }
0x5: {  	s6 =	rddreg [dreg:$0x0];
	s4 =	simm.s32 $0x1;
	s2 =	sshll.u32 s1, $0x7  }
0x6: {  	s7 =	simm.s32 $0x2;
	s12 =	simm.s32 $0x0;
	s1 =	ssub.s32 $0x1000, s2  }
0x7: {  	s8 =	simm.s32 $0x8000;
	s13 =	simm.s32 $0x0;
	s3 =	sand.u32 $0xF80, s1  }
0x8: {  	s9 =	simm.s32 $0x0;
	s5 =	sshrl.u32 s1, $0xC;
	p0 =	sne.s32 s3, $0x0  }
.Ltmp0:
0x9: {  	s1 =	rddreg [dreg:$0x2];
	s4 =	simm.s32 @!p0 $0x0;
	(pc) =	sbr.rel .LBB1_1-.Ltmp0, $4  }
0xa: {  	s11 =	simm.s32 $0x0;
	s3 =	rddreg [dreg:$0x1];
	s5 =	sadd.s32 s4, s5  }
0xb: {  	_ =	strace $0x8000004A;
	s4 =	simm.s32 $0x1;
	s5 =	smul.u32 $0xC8, s5  }
0xc: {  	s6 =	sadd.s32 $0x237D400, s6;
	s10 =	smov.u32 s2;
	[sflag:s4] =	ssyncpa.u1 $0x0  }
0xd: {  	p0 =	por $0x0, $0x0;
	[sflag:s7] =	ssyncpa.u1 $0x0;
	s7 =	sor.u32 $0x1, s5  }
.LBB1_4:
0xe: {  	s16 =	sshll.u32 s13, $0x3;
	s17 =	sand.u32 $0x78, s13  }
0xf: {  	s30 =	sand.u32 $0x7E00, s13;
	s12 =	sshll.u32 s12, $0xF;
	s16 =	sand.u32 $0xC00, s16  }
0x10: {  	[tilespmem:s15+$0x810 ss:$0x81] =	vst.msk $0xffff, v2;
	s31 =	sand.u32 $0x7, s13;
	s16 =	sor.u32 s17, s16;
	s17 =	sadd.s32 s3, s30  }
0x11: {  	[tilespmem:s15+$0x1020 ss:$0x81] =	vst.msk $0xffff, v0;
	s13 =	sshll.u32 s31, $0x12;
	s12 =	sadd.s32 s12, s17;
	s16 =	sshrl.u32 s16, $0x3  }
0x12: {  	[tilespmem:s15+$0x0 ss:$0x81] =	vst.msk $0xffff, v1;
	s13 =	sor.u32 $0x400, s13;
	s12 =	sadd.s32 s16, s12  }
0x13: {  	[hbm4b:s12+s13] =	stream.strided.scatter [tilespmem:s14], [sflag:$0x2], $0x2000, s8, s13, $0x20;
	[tilespmem:$0x8080] =	vst v63  }
.LBB1_5:
0x14: {  	s14 =	sadd.s32 $0x1, s9  }
0x15: {  	s12 =	sadd.s32 $0x1000, s10;
	s16 =	smov.u32 s10;
	p2 =	sgt.s32 s14, $0xC7  }
0x16: {  	s16 =	smov.u32 @p2 s12  }
0x17: {  	s14 =	simm.s32 @p2 $0x0;
	p2 =	sgt.s32 s16, $0xFFF  }
0x18: {  	s16 =	smov.u32 @p2 s2;
	p2 =	sne.s32 s11, s7  }
.Ltmp1:
0x19: {  	p1 =	slt.u32 s11, $0x2;
	(pc) =	sbr.rel @!p2 .LBB1_6-.Ltmp1, $4  }
0x1a: {  	s15 =	simm.s32 @!p1 $0x2  }
0x1b: {  	s13 =	smov.u32 s10;
	p0 =	por !p0, !p0;
	_ =	swait.ge @!p1 [sflag:s15], $0x2000  }
0x1c: {  	s12 =	smov.u32 s9;
	[sflag:s15] =	ssyncset.done @!p1 $0x0;
	s9 =	smov.u32 s14  }
0x1d: {  	s11 =	sadd.s32 $0x1, s11;
	[sflag:s15] =	ssyncadd.s32 @!p1 $0xFFFFE000;
	s10 =	smov.u32 s16  }
.LBB1_1:
0x1e: {  	p1 =	sge.u32 s11, s5  }
0x1f: {  	s14 =	sand.u32 @!p1 $0x1FFFFFF, s9  }
0x20: {  	s15 =	smulhi.u32 @!p1 $0x147AE15, s14;
	_ =	sdelay $0x1  }
0x21: {  	s15 =	smul.u32 @!p1 $0xC8, s15  }
0x22: {  	s16 =	sxor.u32 @!p1 $0xFFFFFFFF, s11;
	s17 =	smul.u32 @!p1 $0xC80, s10  }
0x23: {  	s31 =	sadd.s32 $0xFFFFFFFF, s11;
	s16 =	sshll.u32 @!p1 s16, $0xD;
	s14 =	ssub.s32 @!p1 s14, s15  }
0x24: {  	s15 =	sand.u32 @!p1 $0x2000, s16;
	s16 =	sadd.s32 @!p1 s6, s17;
	s14 =	sshll.u32 @!p1 s14, $0x4  }
0x25: {  	s17 =	simm.s32 @!p1 $0x6400;
	s14 =	sadd.s32 @!p1 s14, s16;
	s16 =	simm.s32 @!p1 $0x40  }
0x26: {  	[tilespmem:s15], [sflag:$0x1] =	stream.strided.gather @!p1 [hbm4b:s14+s16], $0x2000, s17, s16, $0x38;
	[tilespmem:$0x8080] =	vst v63  }
0x27: {  	p1 =	sge.u32 s31, s5  }
.Ltmp2:
0x28: {  	_ = 	snop;
	(pc) =	sbr.rel @p1 .LBB1_5-.Ltmp2, $1  }
0x29: {  	_ =	sdelay $0x3  }
0x2a: {  	s14 =	simm.s32 $0x1  }
0x2b: {  	_ =	swait.ge [sflag:s4], $0x2000;
	s14 =	simm.s32 @!p0 $0x0  }
0x2c: {  	[sflag:s4] =	ssyncset.done $0x0;
	s15 =	sshll.u32 s14, $0xD  }
0x2d: {  	[sflag:s4] =	ssyncadd.s32 $0xFFFFE000;
	s18 =	sor.u32 $0x20, s15  }
0x2e: {  	s14 =	smul.u32 $0x8100, s14;
	v3 =	vld [tilespmem:s18+$0x10]  }
0x2f: {  	s30 =	sand.u32 $0x1, s11;
	v2 =	vld [tilespmem:s18+$0xFFFFFFF0]  }
0x30: {  	s15 =	smul.u32 $0x8100, s30;
	s14 =	sshrl.u32 s14, $0x2;
	v0 =	vld [tilespmem:s18+$0x0]  }
0x31: {  	v1 =	vld [tilespmem:s18+$0xFFFFFFE0];
	s16 =	sor.u32 $0x4000, s14  }
0x32: {  	s31 =	sshrl.u32 s15, $0x2;
	s15 =	sadd.s32 $0x0, s16  }
0x33: {  	s17 =	simm.s32 $0x4;
	s18 =	sadd.s32 $0x40, s18;
	s14 =	sor.u32 $0x4000, s31;
	[tilespmem:s15+$0x1830 ss:$0x81] =	vst.msk $0xffff, v3  }
.LBB1_3:
0x34: {  	v3 =	vld [tilespmem:s18+$0x10];
	p1 =	sne.s32 s17, $0x1FC;
	[tilespmem:s15+$0x810 ss:$0x81] =	vst.msk $0xffff, v2;
	s19 =	smov.u32 s17;
	s17 =	sadd.s32 $0x4, s17  }
.Ltmp3:
0x35: {  	v2 =	vld [tilespmem:s18+$0xFFFFFFF0];
	[tilespmem:s15+$0x1020 ss:$0x81] =	vst.msk $0xffff, v0;
	(pc) =	sbr.rel @p1 .LBB1_3-.Ltmp3, $4  }
0x36: {  	v0 =	vld [tilespmem:s18+$0x0];
	[tilespmem:s15+$0x0 ss:$0x81] =	vst.msk $0xffff, v1  }
0x37: {  	s15 =	sshra.s32 s19, $0x2;
	v1 =	vld [tilespmem:s18+$0xFFFFFFE0]  }
0x38: {  	s15 =	sadd.s32 s15, s16  }
0x39: {  	s18 =	sadd.s32 $0x40, s18;
	[tilespmem:s15+$0x1830 ss:$0x81] =	vst.msk $0xffff, v3  }
.Ltmp4:
0x3a: {  	_ = 	snop;
	(pc) =	sbr.rel .LBB1_4-.Ltmp4, $1  }
0x3b: {  	_ =	sdelay $0x3  }
.LBB1_6:
0x3c: {  	_ =	sfence.sel $0x180000  }
0x3d: {  	s2 =	simm.s32 $0x1;
	[bflag:$0x0] =	sbarrier.arrive $0xFFFF  }
0x3e: {  	s31 =	simm.s32 $0x2;
	[sflag:s2] =	ssyncpa.u1 $0x1  }
0x3f: {  	[sflag:s31] =	ssyncpa.u1 $0x1  }
0x40: {  	p0 =	sne.s32 s0, $0x0;
	_ =	strace $0x9000004A  }
0x41: {  	s0 =	sadd.s32 @!p0 $0x100000, s1;
	[bflag:$0x2] =	sbarrier.arrive $0xFFFF  }
0x42: {  	[sflag:s0] =	ssyncadd.tile.s32 @!p0 $0x1;
	_ =	shalt  }
.Lfunc_end1:
_tile_overlayer_lowered:
.L_overlay_start_2:
0x43: {  	(tag) =	ssettag $0x2  }
0x44: {  	s0 =	rddreg [dreg:$0x0];
	s2 =	stileid.u32  }
0x45: {  	s1 =	rddreg [dreg:$0x1];
	p0 =	sne.s32 s2, $0x0  }
0x46: {  	s3 =	rddreg [dreg:$0x2];
	[bflag:$0x3] =	sbarrier.arrive $0xFFFF;
	s2 =	simm.s32 @!p0 $0x1C01  }
0x47: {  	[timem:s3], [sflag:s2] =	dma.local @!p0 [hbm:s0], s1  }
0x48: {  	s0 =	simm.s32 @!p0 $0x1  }
0x49: {  	_ =	swait.ge @!p0 [sflag:s0], s1  }
0x4a: {  	s1 =	ssub.s32 @!p0 $0x0, s1;
	[sflag:s0] =	ssyncset.done @!p0 $0x0  }
0x4b: {  	[sflag:s0] =	ssyncadd.s32 @!p0 s1  }
0x4c: {  	[bflag:$0x3] =	sbarrier.arrive $0xFFFF  }
0x4d: {  	_ =	shalt  }

</sc_bundles>
